<compile_context>
chip_gen: v7x
topology: tpu7x:2x2x1
jax: 0.10.2.dev20260603
libtpu: 0.0.44.dev20260713+nightly
codegen_flags: <defaults>
</compile_context>

<pallas_src>
import functools

import jax
import jax.numpy as jnp
from jax import lax
from jax.experimental import pallas as pl
from jax.experimental.pallas import tpu as pltpu
from jax.experimental.pallas import tpu_sc as plsc

BATCH = 4096
N_K = 8192
BT = 512

SC_NC = 2
SC_NS = 16
SC_L = 16
SC_NW = SC_NC * SC_NS
B_PER_W = BATCH // SC_NW


def _winner_body(x_ref, wneg2_ref, kwt_ref, win_ref):
    x0 = x_ref[:, 0:1]
    x1 = x_ref[:, 1:2]
    radial = jnp.sqrt(x0 * x0 + x1 * x1)
    scale = jnp.maximum(radial, 1.0)
    xs0 = x0 / scale
    xs1 = x1 / scale
    rsq = xs0 * xs0 + xs1 * xs1
    xs2 = jnp.sqrt(jnp.clip(1.0 - rsq, 0.0, 1.0))

    xb = jnp.concatenate(
        [
            xs0.astype(jnp.bfloat16),
            xs1.astype(jnp.bfloat16),
            xs2.astype(jnp.bfloat16),
            jnp.zeros((BT, 5), jnp.bfloat16),
        ],
        axis=1,
    )
    cpp = lax.dot_general(
        xb,
        wneg2_ref[...],
        (((1,), (0,)), ((), ())),
        preferred_element_type=jnp.float32,
    )

    w0 = kwt_ref[0:1, :]
    w1 = kwt_ref[1:2, :]
    w2 = kwt_ref[2:3, :]
    a2 = xs0 * xs0 + xs1 * xs1 + xs2 * xs2
    b2 = w0 * w0 + w1 * w1 + w2 * w2
    dist = jnp.maximum((a2 + b2) + cpp, 0.0)
    db = lax.bitcast_convert_type(dist, jnp.int32)
    m = jnp.min(db, axis=1, keepdims=True)
    iota = lax.broadcasted_iota(jnp.int32, (BT, N_K), 1)
    win_ref[...] = jnp.min(
        jnp.where(db == m, iota, N_K), axis=1, keepdims=True
    )


def _winners_tc(x, wneg2, kwt):
    return pl.pallas_call(
        _winner_body,
        grid=(BATCH // BT,),
        in_specs=[
            pl.BlockSpec((BT, 2), lambda i: (i, 0)),
            pl.BlockSpec((8, N_K), lambda i: (0, 0)),
            pl.BlockSpec((3, N_K), lambda i: (0, 0)),
        ],
        out_specs=pl.BlockSpec((BT, 1), lambda i: (i, 0)),
        out_shape=jax.ShapeDtypeStruct((BATCH, 1), jnp.int32),
        compiler_params=pltpu.CompilerParams(
            dimension_semantics=("parallel",),
        ),
    )(x, wneg2, kwt)


@functools.cache
def _gather_sc():
    @functools.partial(
        pl.kernel,
        mesh=plsc.VectorSubcoreMesh(core_axis_name="c", subcore_axis_name="s"),
        out_type=jax.ShapeDtypeStruct((BATCH,), jnp.float32),
        scratch_types=[
            pltpu.VMEM((B_PER_W,), jnp.int32),
            pltpu.VMEM((B_PER_W,), jnp.float32),
            pltpu.SemaphoreType.DMA,
        ],
    )
    def gather(gw_hbm, idx_hbm, out_hbm, idx_v, out_v, sem):
        wid = lax.axis_index("s") * SC_NC + lax.axis_index("c")
        base = wid * B_PER_W
        pltpu.sync_copy(idx_hbm.at[pl.ds(base, B_PER_W)], idx_v)
        pltpu.async_copy(gw_hbm.at[idx_v], out_v, sem).wait()
        pltpu.sync_copy(out_v, out_hbm.at[pl.ds(base, B_PER_W)])

    return gather


def kernel(x, kohonen_weights, grossberg_weights):
    w_bf = kohonen_weights.astype(jnp.bfloat16)
    wneg2 = (-2.0 * w_bf.astype(jnp.float32)).astype(jnp.bfloat16)
    wneg2 = jnp.concatenate(
        [wneg2.T, jnp.zeros((5, N_K), jnp.bfloat16)], axis=0
    )
    winners = _winners_tc(x, wneg2, kohonen_weights.T)
    out = _gather_sc()(grossberg_weights.reshape(-1), winners.reshape(-1))
    return out.reshape(BATCH, 1)

# --- scband reference (transcript-rebuilt; emitter-appended) ---
"""Pipeline reference for scband-cpn-15693810499943 (READ-ONLY COPY).

The authoritative reference and input builder live on the scoring server;
editing this copy changes nothing except your own understanding.
"""

import jax, jax.numpy as jnp
import numpy as np

N_KOHONEN = 8192
BATCH = 4096

def setup_inputs(seed: int = 0) -> dict:
    key = jax.random.key(seed)
    k1, k2, k3 = jax.random.split(key, 3)
    x = jax.random.normal(k1, (BATCH, 2), dtype=jnp.float32)
    kw = jax.random.normal(k2, (N_KOHONEN, 3), dtype=jnp.float32)
    norms = jnp.linalg.norm(kw, axis=1, keepdims=True)
    kohonen_weights = kw / jnp.clip(norms, 1e-12, None)
    grossberg_weights = jax.random.uniform(k3, (N_KOHONEN, 1), dtype=jnp.float32, minval=0.45, maxval=0.55)
    return {"x": x, "kohonen_weights": kohonen_weights, "grossberg_weights": grossberg_weights}

def _preprocess(x):
    # augmented_unit_sphere preprocessing
    radial = jnp.linalg.norm(x, axis=1, keepdims=True)
    scale = jnp.maximum(radial, 1.0)
    x_scaled = x / scale
    radius_sq = jnp.sum(jnp.square(x_scaled), axis=1, keepdims=True)
    x3 = jnp.sqrt(jnp.clip(1.0 - radius_sq, 0.0, 1.0))
    return jnp.concatenate([x_scaled, x3], axis=1)

def reference(x, kohonen_weights, grossberg_weights):
    x_prep = _preprocess(x)  # [B, 3]
    # euclidean cdist via ||a||^2 + ||b||^2 - 2 a.b
    a2 = jnp.sum(jnp.square(x_prep), axis=1, keepdims=True)          # [B, 1]
    b2 = jnp.sum(jnp.square(kohonen_weights), axis=1)[None, :]       # [1, K]
    cross = x_prep @ kohonen_weights.T                                # [B, K]
    dists = jnp.sqrt(jnp.maximum(a2 + b2 - 2.0 * cross, 0.0))
    winners = jnp.argmin(dists, axis=1)                               # [B]
    return jnp.take(grossberg_weights, winners, axis=0)               # [B, 1]

if __name__ == "__main__":
    import jax
    _d = setup_inputs()
    print(jax.jit(kernel)(*tuple(_d.values())))

</pallas_src>

<mosaic_0001>
#map = affine_map<(d0, d1) -> (0)>
module attributes {stable_mosaic.version = 14 : i64} {
  func.func @gather(%arg0: i32, %arg1: i32, %arg2: memref<8192xf32, #tpu.memory_space<hbm>>, %arg3: memref<4096xi32, #tpu.memory_space<hbm>>, %arg4: memref<4096xf32, #tpu.memory_space<hbm>>, %arg5: memref<128xi32, #tpu.memory_space<vmem>>, %arg6: memref<128xf32, #tpu.memory_space<vmem>>, %arg7: memref<!tpu.dma_semaphore, #tpu.memory_space<semaphore_mem>>) attributes {dimension_semantics = [#tpu.dimension_semantics<core_parallel>, #tpu.dimension_semantics<subcore_parallel>], iteration_bounds = array<i64: 2, 16>, scalar_prefetch = 0 : i64, scratch_operands = 3 : i64, tpu.core_type = #tpu.core_type<sc_vector_subcore>, window_params = [{transform_indices = #map}, {transform_indices = #map}, {transform_indices = #map}]} {
    %mul3A = arith.constant 2 : i32
    %mul3A_0 = arith.muli %arg1, %mul3A : i32
    %add3A = arith.addi %mul3A_0, %arg0 : i32
    %mul3A_1 = arith.constant 128 : i32
    %mul3A_2 = arith.muli %add3A, %mul3A_1 : i32
    "tpu.region"() ({
      %run_scoped3A = tpu.sem_alloc : memref<!tpu.dma_semaphore, #tpu.memory_space<semaphore_mem>>
      %dma_start3A_5 = tpu.memref_slice %arg3[%mul3A_2] : memref<4096xi32, #tpu.memory_space<hbm>> -> memref<128xi32, #tpu.memory_space<hbm>>
      %dma_start3A_6 = tpu.memref_slice %arg3[%mul3A_2] : memref<4096xi32, #tpu.memory_space<hbm>> -> memref<128xi32, #tpu.memory_space<hbm>>
      tpu.enqueue_dma source(%dma_start3A_6 : memref<128xi32, #tpu.memory_space<hbm>>) target(%arg5 : memref<128xi32, #tpu.memory_space<vmem>>) target_semaphore(%run_scoped3A : memref<!tpu.dma_semaphore, #tpu.memory_space<semaphore_mem>>)
      %dma_wait3A_7 = tpu.memref_slice %arg3[%mul3A_2] : memref<4096xi32, #tpu.memory_space<hbm>> -> memref<128xi32, #tpu.memory_space<hbm>>
      %dma_wait3A_8 = tpu.memref_slice %arg3[%mul3A_2] : memref<4096xi32, #tpu.memory_space<hbm>> -> memref<128xi32, #tpu.memory_space<hbm>>
      tpu.wait_dma2 semaphore(%run_scoped3A : memref<!tpu.dma_semaphore, #tpu.memory_space<semaphore_mem>>) src(%dma_wait3A_8 : memref<128xi32, #tpu.memory_space<hbm>>) dst(%arg5 : memref<128xi32, #tpu.memory_space<vmem>>)
      tpu.yield
    }) : () -> ()
    %dma_start3A = arith.constant 0 : i32
    %dma_start3A_3 = tpu.memref_slice %arg2[%dma_start3A] : memref<8192xf32, #tpu.memory_space<hbm>> -> memref<8192xf32, #tpu.memory_space<hbm>>
    tpu.enqueue_indirect_dma source(%dma_start3A_3 : memref<8192xf32, #tpu.memory_space<hbm>>) target(%arg6 : memref<128xf32, #tpu.memory_space<vmem>>) offsets(%arg5 : memref<128xi32, #tpu.memory_space<vmem>>) semaphore(%arg7 : memref<!tpu.dma_semaphore, #tpu.memory_space<semaphore_mem>>)
    %dma_wait3A = arith.constant 0 : i32
    %dma_wait3A_4 = tpu.memref_slice %arg2[%dma_wait3A] : memref<8192xf32, #tpu.memory_space<hbm>> -> memref<8192xf32, #tpu.memory_space<hbm>>
    tpu.wait_indirect_dma semaphore(%arg7 : memref<!tpu.dma_semaphore, #tpu.memory_space<semaphore_mem>>) src(%dma_wait3A_4 : memref<8192xf32, #tpu.memory_space<hbm>>) dst(%arg6 : memref<128xf32, #tpu.memory_space<vmem>>)
    "tpu.region"() ({
      %run_scoped3A = tpu.sem_alloc : memref<!tpu.dma_semaphore, #tpu.memory_space<semaphore_mem>>
      %dma_start3A_5 = tpu.memref_slice %arg4[%mul3A_2] : memref<4096xf32, #tpu.memory_space<hbm>> -> memref<128xf32, #tpu.memory_space<hbm>>
      %dma_start3A_6 = tpu.memref_slice %arg4[%mul3A_2] : memref<4096xf32, #tpu.memory_space<hbm>> -> memref<128xf32, #tpu.memory_space<hbm>>
      tpu.enqueue_dma source(%arg6 : memref<128xf32, #tpu.memory_space<vmem>>) target(%dma_start3A_6 : memref<128xf32, #tpu.memory_space<hbm>>) target_semaphore(%run_scoped3A : memref<!tpu.dma_semaphore, #tpu.memory_space<semaphore_mem>>)
      %dma_wait3A_7 = tpu.memref_slice %arg4[%mul3A_2] : memref<4096xf32, #tpu.memory_space<hbm>> -> memref<128xf32, #tpu.memory_space<hbm>>
      %dma_wait3A_8 = tpu.memref_slice %arg4[%mul3A_2] : memref<4096xf32, #tpu.memory_space<hbm>> -> memref<128xf32, #tpu.memory_space<hbm>>
      tpu.wait_dma2 semaphore(%run_scoped3A : memref<!tpu.dma_semaphore, #tpu.memory_space<semaphore_mem>>) src(%arg6 : memref<128xf32, #tpu.memory_space<vmem>>) dst(%dma_wait3A_8 : memref<128xf32, #tpu.memory_space<hbm>>)
      tpu.yield
    }) : () -> ()
    return
  }
}

module attributes {stable_mosaic.version = 14 : i64} {
  func.func @_winner_body(%arg0: i32, %arg1: memref<512x2xf32, #tpu.memory_space<vmem>>, %arg2: memref<8x8192xbf16, #tpu.memory_space<vmem>>, %arg3: memref<3x8192xf32, #tpu.memory_space<vmem>>, %arg4: memref<512x1xi32, #tpu.memory_space<vmem>>) attributes {dimension_semantics = [#tpu.dimension_semantics<parallel>], iteration_bounds = array<i64: 8>, scalar_prefetch = 0 : i64, scratch_operands = 0 : i64, tpu.core_type = #tpu.core_type<tc>, window_params = [{transform_indices = @transform_0, window_bounds = array<i64: 512, 2>}, {pipeline_mode = #tpu.pipeline_mode<synchronous>, transform_indices = @transform_1, window_bounds = array<i64: 8, 8192>}, {pipeline_mode = #tpu.pipeline_mode<synchronous>, transform_indices = @transform_2, window_bounds = array<i64: 3, 8192>}, {transform_indices = @transform_3, window_bounds = array<i64: 512, 1>}]} {
    %get3A = arith.constant 0 : index
    %get3A_0 = arith.constant 0 : index
    %get3A_1 = vector.load %arg1[%get3A, %get3A_0] : memref<512x2xf32, #tpu.memory_space<vmem>>, vector<512x1xf32>
    %get3A_2 = arith.constant 0 : index
    %get3A_3 = arith.constant 1 : index
    %get3A_4 = vector.load %arg1[%get3A_2, %get3A_3] : memref<512x2xf32, #tpu.memory_space<vmem>>, vector<512x1xf32>
    %mul3A = arith.mulf %get3A_1, %get3A_1 : vector<512x1xf32>
    %mul3A_5 = arith.mulf %get3A_4, %get3A_4 : vector<512x1xf32>
    %add3A = arith.addf %mul3A, %mul3A_5 : vector<512x1xf32>
    %sqrt3A = math.sqrt %add3A : vector<512x1xf32>
    %max3A = arith.constant 1.000000e+00 : f32
    %max3A_6 = vector.broadcast %max3A : f32 to vector<512x1xf32>
    %max3A_7 = arith.maximumf %sqrt3A, %max3A_6 : vector<512x1xf32>
    %div3A = arith.divf %get3A_1, %max3A_7 : vector<512x1xf32>
    %div3A_8 = arith.divf %get3A_4, %max3A_7 : vector<512x1xf32>
    %mul3A_9 = arith.mulf %div3A, %div3A : vector<512x1xf32>
    %mul3A_10 = arith.mulf %div3A_8, %div3A_8 : vector<512x1xf32>
    %add3A_11 = arith.addf %mul3A_9, %mul3A_10 : vector<512x1xf32>
    %sub3A = arith.constant 1.000000e+00 : f32
    %sub3A_12 = vector.broadcast %sub3A : f32 to vector<512x1xf32>
    %sub3A_13 = arith.subf %sub3A_12, %add3A_11 : vector<512x1xf32>
    %jit3A = arith.constant 0.000000e+00 : f32
    %jit3A_14 = arith.constant 1.000000e+00 : f32
    %max3A_15 = vector.broadcast %jit3A : f32 to vector<512x1xf32>
    %max3A_16 = arith.maximumf %max3A_15, %sub3A_13 : vector<512x1xf32>
    %min3A = vector.broadcast %jit3A_14 : f32 to vector<512x1xf32>
    %min3A_17 = arith.minimumf %min3A, %max3A_16 : vector<512x1xf32>
    %sqrt3A_18 = math.sqrt %min3A_17 : vector<512x1xf32>
    %convert_element_type3A = arith.truncf %div3A : vector<512x1xf32> to vector<512x1xbf16>
    %convert_element_type3A_19 = arith.truncf %div3A_8 : vector<512x1xf32> to vector<512x1xbf16>
    %convert_element_type3A_20 = arith.truncf %sqrt3A_18 : vector<512x1xf32> to vector<512x1xbf16>
    %broadcast_in_dim3A = arith.constant 0.000000e+00 : bf16
    %broadcast_in_dim3A_21 = vector.broadcast %broadcast_in_dim3A : bf16 to vector<512x5xbf16>
    %concatenate3A = tpu.concatenate %convert_element_type3A, %convert_element_type3A_19, %convert_element_type3A_20, %broadcast_in_dim3A_21 in 1 : vector<512x1xbf16>, vector<512x1xbf16>, vector<512x1xbf16>, vector<512x5xbf16> -> vector<512x8xbf16>
    %get3A_22 = arith.constant 0 : index
    %get3A_23 = arith.constant 0 : index
    %get3A_24 = vector.load %arg2[%get3A_22, %get3A_23] : memref<8x8192xbf16, #tpu.memory_space<vmem>>, vector<8x8192xbf16>
    %dot_general3A = arith.constant dense<0.000000e+00> : vector<512x8192xf32>
    %dot_general3A_25 = tpu.matmul %concatenate3A, %get3A_24, %dot_general3A {dimension_numbers = #tpu.dot_dimension_numbers<[1], [0], [0], [1], [0, 0, 1, 1], [], []>, transpose_lhs_hint = false} : vector<512x8xbf16>, vector<8x8192xbf16>, vector<512x8192xf32> -> vector<512x8192xf32>
    %get3A_26 = arith.constant 0 : index
    %get3A_27 = arith.constant 0 : index
    %get3A_28 = vector.load %arg3[%get3A_26, %get3A_27] : memref<3x8192xf32, #tpu.memory_space<vmem>>, vector<1x8192xf32>
    %get3A_29 = arith.constant 1 : index
    %get3A_30 = arith.constant 0 : index
    %get3A_31 = vector.load %arg3[%get3A_29, %get3A_30] : memref<3x8192xf32, #tpu.memory_space<vmem>>, vector<1x8192xf32>
    %get3A_32 = arith.constant 2 : index
    %get3A_33 = arith.constant 0 : index
    %get3A_34 = vector.load %arg3[%get3A_32, %get3A_33] : memref<3x8192xf32, #tpu.memory_space<vmem>>, vector<1x8192xf32>
    %mul3A_35 = arith.mulf %div3A, %div3A : vector<512x1xf32>
    %mul3A_36 = arith.mulf %div3A_8, %div3A_8 : vector<512x1xf32>
    %add3A_37 = arith.addf %mul3A_35, %mul3A_36 : vector<512x1xf32>
    %mul3A_38 = arith.mulf %sqrt3A_18, %sqrt3A_18 : vector<512x1xf32>
    %add3A_39 = arith.addf %add3A_37, %mul3A_38 : vector<512x1xf32>
    %mul3A_40 = arith.mulf %get3A_28, %get3A_28 : vector<1x8192xf32>
    %mul3A_41 = arith.mulf %get3A_31, %get3A_31 : vector<1x8192xf32>
    %add3A_42 = arith.addf %mul3A_40, %mul3A_41 : vector<1x8192xf32>
    %mul3A_43 = arith.mulf %get3A_34, %get3A_34 : vector<1x8192xf32>
    %add3A_44 = arith.addf %add3A_42, %mul3A_43 : vector<1x8192xf32>
    %add3A_45 = vector.broadcast %add3A_39 : vector<512x1xf32> to vector<512x8192xf32>
    %add3A_46 = vector.broadcast %add3A_44 : vector<1x8192xf32> to vector<512x8192xf32>
    %add3A_47 = arith.addf %add3A_45, %add3A_46 : vector<512x8192xf32>
    %add3A_48 = arith.addf %add3A_47, %dot_general3A_25 : vector<512x8192xf32>
    %max3A_49 = arith.constant 0.000000e+00 : f32
    %max3A_50 = vector.broadcast %max3A_49 : f32 to vector<512x8192xf32>
    %max3A_51 = arith.maximumf %add3A_48, %max3A_50 : vector<512x8192xf32>
    %bitcast_convert_type3A = tpu.bitcast %max3A_51 : vector<512x8192xf32> -> vector<512x8192xi32>
    %reduce_min3A = arith.constant dense<2147483647> : vector<512xi32>
    %reduce_min3A_52 = vector.multi_reduction <minsi>, %bitcast_convert_type3A, %reduce_min3A [1] : vector<512x8192xi32> to vector<512xi32>
    %broadcast_in_dim3A_53 = vector.shape_cast %reduce_min3A_52 : vector<512xi32> to vector<512x1xi32>
    %iota3A = tpu.iota {dimensions = array<i32: 1>} : vector<512x8192xi32>
    %eq3A = vector.broadcast %broadcast_in_dim3A_53 : vector<512x1xi32> to vector<512x8192xi32>
    %eq3A_54 = arith.cmpi eq, %bitcast_convert_type3A, %eq3A : vector<512x8192xi32>
    %jit3A_55 = arith.constant 8192 : i32
    %broadcast_in_dim3A_56 = vector.broadcast %jit3A_55 : i32 to vector<512x8192xi32>
    %select_n3A = arith.select %eq3A_54, %iota3A, %broadcast_in_dim3A_56 : vector<512x8192xi1>, vector<512x8192xi32>
    %reduce_min3A_57 = arith.constant dense<2147483647> : vector<512xi32>
    %reduce_min3A_58 = vector.multi_reduction <minsi>, %select_n3A, %reduce_min3A_57 [1] : vector<512x8192xi32> to vector<512xi32>
    %broadcast_in_dim3A_59 = vector.shape_cast %reduce_min3A_58 : vector<512xi32> to vector<512x1xi32>
    %swap3A = arith.constant 0 : index
    %swap3A_60 = arith.constant 0 : index
    %swap3A_61 = vector.load %arg4[%swap3A, %swap3A_60] : memref<512x1xi32, #tpu.memory_space<vmem>>, vector<512x1xi32>
    tpu.vector_store %arg4[%swap3A, %swap3A_60], %broadcast_in_dim3A_59 {strides = array<i32>} : memref<512x1xi32, #tpu.memory_space<vmem>>, vector<512x1xi32>,
    return
  }
  func.func @transform_0(%arg0: i32) -> (i32, i32) {
    %c0_i32 = arith.constant 0 : i32
    %c0_i32_0 = arith.constant 0 : i32
    return %arg0, %c0_i32 : i32, i32
  }
  func.func @transform_1(%arg0: i32) -> (i32, i32) {
    %c0_i32 = arith.constant 0 : i32
    %c0_i32_0 = arith.constant 0 : i32
    %c0_i32_1 = arith.constant 0 : i32
    return %c0_i32, %c0_i32_0 : i32, i32
  }
  func.func @transform_2(%arg0: i32) -> (i32, i32) {
    %c0_i32 = arith.constant 0 : i32
    %c0_i32_0 = arith.constant 0 : i32
    %c0_i32_1 = arith.constant 0 : i32
    return %c0_i32, %c0_i32_0 : i32, i32
  }
  func.func @transform_3(%arg0: i32) -> (i32, i32) {
    %c0_i32 = arith.constant 0 : i32
    %c0_i32_0 = arith.constant 0 : i32
    return %arg0, %c0_i32 : i32, i32
  }
}

</mosaic_0001>

<sc_bundles>
// kernel: kernel.4.cloned.1.call-start
scs
__scs_entry_jumppad:
0x0: {  	(pc) =	sbr.rel $0x88, $3  }
0x1: {  	(tag) =	ssettag $0x0;
	lr =	simm.s32 $0x1  }
0x2: {  	[smem:$0x3F9E] =	sst lr;
	_ =	strace $0xD0000000  }
0x3: {  	_ = 	snop  }
0x4: {  	_ = 	snop  }
0x5: {  	_ = 	snop  }
0x6: {  	_ = 	snop  }
0x7: {  	_ = 	snop  }
__scs_overlays_trampoline_lowered:
0x8: {  	[smem:$0x3FAD] =	sst s0  }
0x9: {  	[smem:$0x3FAE] =	sst s1  }
0xa: {  	[smem:$0x3FAF] =	sst s2  }
0xb: {  	[smem:$0x3FB0] =	sst s3  }
0xc: {  	[smem:$0x3FB1] =	sst s4  }
0xd: {  	[smem:$0x3FB2] =	sst s5  }
0xe: {  	[smem:$0x3FB3] =	sst s6  }
0xf: {  	[smem:$0x3FB4] =	sst s7  }
0x10: {  	[smem:$0x3FB5] =	sst s8  }
0x11: {  	[smem:$0x3FB6] =	sst s9;
	s0 =	simm.s32 @!p0 $0x0  }
0x12: {  	s1 =	sld [smem:$0x3F9C];
	s0 =	simm.s32 @p0 $0x1  }
0x13: {  	[smem:$0x3FB7] =	sst s0;
	s0 =	simm.s32 @!p1 $0x0  }
0x14: {  	s2 =	sld [smem:$0x3F9B];
	s0 =	simm.s32 @p1 $0x1  }
0x15: {  	[smem:$0x3FB8] =	sst s0;
	s0 =	simm.s32 @!p2 $0x0  }
0x16: {  	s3 =	sld [smem:$0x3FDB];
	s0 =	simm.s32 @p2 $0x1  }
0x17: {  	s4 =	simm.s32 $0x1BF5;
	[smem:$0x3FBA] =	sst s0  }
0x18: {  	s0 =	sld [smem:$0x3F9D];
	_ =	swait.ge [sflag:s4], $0x0  }
0x19: {  	s7 =	sld [smem:$0x3F9E]  }
0x1a: {  	s8 =	sadd.s32 $0xFFFFE003, lr  }
0x1b: {  	s9 =	sadd.s32 $0xFFFFFEF7, lr;
	s5 =	simm.s32 $0xFFFFFFFF;
	p2 =	slt.u32 s8, $0xFFFFF086  }
0x1c: {  	p1 =	slt.u32 s9, $0xF7A;
	s5 =	simm.s32 @!p2 $0x0  }
0x1d: {  	s5 =	simm.s32 @p1 $0x1;
	p0 =	seq.s32 s7, s2  }
0x1e: {  	s7 =	smul.u32 @!p0 $0xF7A, s2;
	p2 =	seq.s32 @!p0 s5, $0x0  }
0x1f: {  	s9 =	smul.u32 $0xF7A, s1;
	s8 =	simm.s32 @!p0 $0x1BF5;
	p2 =	por !p2, p0  }
0x20: {  	[sflag:s8] =	ssyncset.s32 @!p0 $0xFFFFF086;
	s6 =	sadd.s32 @!p0 s3, s7;
	s7 =	simm.s32 @!p0 $0x108  }
0x21: {  	s3 =	sadd.s32 s3, s9;
	s6 =	sadd.s32 @!p0 $0x88, s6;
	s7 =	simm.s32 @p2 $0x1082  }
0x22: {  	[simem:s7], [sflag:s8] =	dma.local @!p0 [hbm:s6], $0xF7A  }
0x23: {  	s9 =	sor.u32 $0xD0000000, s2;
	s6 =	simm.s32 $0x108;
	_ =	swait.ge @!p0 [sflag:s8], $0x0  }
0x24: {  	s3 =	sadd.s32 $0x88, s3;
	s6 =	simm.s32 @!p1 $0x1082;
	[sflag:s4] =	ssyncset.s32 $0xFFFFF086  }
0x25: {  	[simem:s6], [sflag:s4] =	dma.local [hbm:s3], $0xF7A  }
0x26: {  	[smem:$0x3F9E] =	sst s1;
	(tag) =	ssettag s2;
	_ =	strace s9  }
0x27: {  	s1 =	sld [smem:$0x3FAE]  }
0x28: {  	s2 =	sld [smem:$0x3FAF]  }
0x29: {  	s4 =	sld [smem:$0x3FB1]  }
0x2a: {  	p0 =	seq.s32 s5, $0x0;
	s5 =	sld [smem:$0x3FB2]  }
0x2b: {  	s6 =	sld [smem:$0x3FB3]  }
0x2c: {  	s7 =	sld [smem:$0x3FB4]  }
0x2d: {  	s3 =	simm.s32 $0x108;
	s8 =	sld [smem:$0x3FB5]  }
0x2e: {  	s3 =	simm.s32 @!p0 $0x1082;
	s9 =	sld [smem:$0x3FB6]  }
0x2f: {  	lr =	sadd.s32 s0, s3;
	s0 =	sld [smem:$0x3FAD]  }
0x30: {  	s3 =	sld [smem:$0x3FB0]  }
0x31: {  	[smem:$0x3FB9] =	sst s10  }
0x32: {  	s10 =	sld [smem:$0x3FB7];
	_ =	sdelay $0x3  }
0x33: {  	p0 =	seq.s32 s10, $0x1;
	s10 =	sld [smem:$0x3FB9];
	_ =	sdelay $0x3  }
0x34: {  	[smem:$0x3FB9] =	sst s10  }
0x35: {  	s10 =	sld [smem:$0x3FB8];
	_ =	sdelay $0x3  }
0x36: {  	p1 =	seq.s32 s10, $0x1;
	s10 =	sld [smem:$0x3FB9];
	_ =	sdelay $0x3  }
0x37: {  	[smem:$0x3FB9] =	sst s10  }
0x38: {  	s10 =	sld [smem:$0x3FBA]  }
0x39: {  	_ = 	snop;
	(pc) =	sbr.ind lr, $3  }
0x3a: {  	_ = 	snop  }
0x3b: {  	_ = 	snop  }
0x3c: {  	p2 =	seq.s32 s10, $0x1;
	s10 =	sld [smem:$0x3FB9]  }
0x3d: {  	_ =	shalt  }
0x3e: {  	_ =	shalt  }
0x3f: {  	_ =	shalt  }
0x40: {  	_ =	shalt  }
0x41: {  	_ =	shalt  }
0x42: {  	_ =	shalt  }
0x43: {  	_ =	shalt  }
0x44: {  	_ =	shalt  }
0x45: {  	_ =	shalt  }
0x46: {  	_ =	shalt  }
0x47: {  	_ =	shalt  }
0x48: {  	_ =	shalt  }
0x49: {  	_ =	shalt  }
0x4a: {  	_ =	shalt  }
0x4b: {  	_ =	shalt  }
0x4c: {  	_ =	shalt  }
0x4d: {  	_ =	shalt  }
0x4e: {  	_ =	shalt  }
0x4f: {  	_ =	shalt  }
0x50: {  	_ =	shalt  }
0x51: {  	_ =	shalt  }
0x52: {  	_ =	shalt  }
0x53: {  	_ =	shalt  }
0x54: {  	_ =	shalt  }
0x55: {  	_ =	shalt  }
0x56: {  	_ =	shalt  }
0x57: {  	_ =	shalt  }
0x58: {  	_ =	shalt  }
0x59: {  	_ =	shalt  }
0x5a: {  	_ =	shalt  }
0x5b: {  	_ =	shalt  }
0x5c: {  	_ =	shalt  }
0x5d: {  	_ =	shalt  }
0x5e: {  	_ =	shalt  }
0x5f: {  	_ =	shalt  }
0x60: {  	_ =	shalt  }
0x61: {  	_ =	shalt  }
0x62: {  	_ =	shalt  }
0x63: {  	_ =	shalt  }
0x64: {  	_ =	shalt  }
0x65: {  	_ =	shalt  }
0x66: {  	_ =	shalt  }
0x67: {  	_ =	shalt  }
0x68: {  	_ =	shalt  }
0x69: {  	_ =	shalt  }
0x6a: {  	_ =	shalt  }
0x6b: {  	_ =	shalt  }
0x6c: {  	_ =	shalt  }
0x6d: {  	_ =	shalt  }
0x6e: {  	_ =	shalt  }
0x6f: {  	_ =	shalt  }
0x70: {  	_ =	shalt  }
0x71: {  	_ =	shalt  }
0x72: {  	_ =	shalt  }
0x73: {  	_ =	shalt  }
0x74: {  	_ =	shalt  }
0x75: {  	_ =	shalt  }
0x76: {  	_ =	shalt  }
0x77: {  	_ =	shalt  }
0x78: {  	_ =	shalt  }
0x79: {  	_ =	shalt  }
0x7a: {  	_ =	shalt  }
0x7b: {  	_ =	shalt  }
0x7c: {  	_ =	shalt  }
0x7d: {  	_ =	shalt  }
0x7e: {  	_ =	shalt  }
0x7f: {  	_ =	shalt  }
0x80: {  	_ =	shalt  }
0x81: {  	_ =	shalt  }
0x82: {  	_ =	shalt  }
0x83: {  	_ =	shalt  }
0x84: {  	_ =	shalt  }
0x85: {  	_ =	shalt  }
0x86: {  	_ =	shalt  }
0x87: {  	_ =	shalt  }
.Lfunc_end0:
.L_simem_size_0:
called_computation_lowered:
.L_overlay_start_0:
0x88: {  	s2 =	sld [smem:$0x3FD9]  }
0x89: {  	s3 =	sld [smem:$0x3FFE];
	_ =	sdelay $0x1  }
0x8a: {  	s1 =	srdreg.scid  }
0x8b: {  	s0 =	sand.u32 $0x1, s1  }
0x8c: {  	s17 =	sshll.u32 s0, $0xA;
	s2 =	sadd.s32 s3, s2  }
0x8d: {  	s2 =	sadd.s32 s2, s17  }
0x8e: {  	[smem:$0x3FC5] =	sst s2  }
0x8f: {  	_ = 	snop  }
0x90: {  	s2 =	sld [smem:$0x3FC7]  }
0x91: {  	s18 =	sld [smem:$0x3FD0];
	(tm) =	ssettm $0x1  }
0x92: {  	s4 =	sld [smem:$0x3FFB];
	_ =	sdelay $0x3  }
0x93: {  	_ =	strace s4  }
0x94: {  	s4 =	sld [smem:$0x3FFC];
	_ =	sdelay $0x3  }
0x95: {  	_ =	strace s4  }
0x96: {  	s4 =	sld [smem:$0x3FFD];
	_ =	sdelay $0x3  }
0x97: {  	_ =	strace s4  }
0x98: {  	_ =	strace $0x8FFFFFFF  }
0x99: {  	s19 =	sld [smem:$0x3FDB];
	_ =	sdelay $0x1  }
0x9a: {  	s5 =	simm.s32 $_scs_section_size  }
0x9b: {  	s6 =	simm.s32 $_size__tile_overlayer_lowered;
	s7 =	simm.s32 $_tile_overlayer_lowered  }
0x9c: {  	s22 =	simm.s32 $0x1BFF;
	s21 =	sshll.u32 s7, $0x1;
	s4 =	sadd.s32 s5, s19  }
0x9d: {  	s8 =	simm.s32 $0x0;
	s20 =	sshll.u32 s6, $0x1;
	s6 =	sadd.s32 s21, s4  }
0x9e: {  	[timem:s8], [sflag:s22] =	dma.local [hbm:s6], s20  }
0x9f: {  	_ =	swait.ge [sflag:s22], s20  }
0xa0: {  	s5 =	ssub.s32 $0x0, s20;
	[sflag:s22] =	ssyncset.done $0x0  }
0xa1: {  	[sflag:s22] =	ssyncadd.s32 s5;
	_ =	sdelay $0x1  }
0xa2: {  	s23 =	simm.s32 $0x1B8B  }
0xa3: {  	_ =	swait.ge [sflag:s23], $0x1  }
0xa4: {  	[sflag:s23] =	ssyncset.done $0x0  }
0xa5: {  	s25 =	simm.s32 $0x1B8E;
	s24 =	sld [smem:$0x3FFE];
	[sflag:s23] =	ssyncadd.s32 $0xFFFFFFFF  }
0xa6: {  	s26 =	simm.s32 $execute0_lowered;
	[smem:$0x3FD2] =	sst s25  }
0xa7: {  	s6 =	sshll.u32 s26, $0x1;
	_ =	strace $0x80000046;
	[dreg:$0x1] =	wrdreg $0xFFFFFFFF  }
0xa8: {  	s28 =	simm.s32 $_size_execute0_lowered;
	s4 =	sadd.s32 s4, s6;
	[dreg:$0x0] =	wrdreg $0x0  }
0xa9: {  	s6 =	sshll.u32 s28, $0x1;
	[dreg:$0x2] =	wrdreg s4  }
0xaa: {  	[dreg:$0x3] =	wrdreg s6  }
0xab: {  	[dreg:$0x4] =	wrdreg $0xC0  }
0xac: {  	_ =	task [dreg:s8], $0x5FFFF  }
0xad: {  	[dreg:$0x1] =	wrdreg $0xFFFFFFFF  }
0xae: {  	[dreg:$0x0] =	wrdreg $0x60  }
0xaf: {  	[dreg:$0x2] =	wrdreg s2  }
0xb0: {  	[dreg:$0x3] =	wrdreg s24  }
0xb1: {  	[dreg:$0x4] =	wrdreg s18  }
0xb2: {  	[dreg:$0x5] =	wrdreg $0x9  }
0xb3: {  	_ =	task.clear_ibuf [dreg:s8], $0x6FFFF;
	_ =	strace $0x90000046  }
0xb4: {  	s29 =	simm.s32 $0x9;
	_ =	strace $0x80000048  }
0xb5: {  	_ =	swait.ge [sflag:s29], $0x1  }
0xb6: {  	[sflag:s29] =	ssyncadd.s32 $0xFFFFFFFF  }
0xb7: {  	_ =	strace $0x90000048  }
0xb8: {  	_ =	sfence  }
0xb9: {  	s30 =	sld [smem:$0x0];
	_ =	sdelay $0x2  }
0xba: {  	s31 =	sshll.u32 s1, $0xD;
	s1 =	sshrl.u32 s1, $0x2  }
0xbb: {  	s3 =	sand.u32 $0x4000, s31;
	s1 =	sadd.s32 s1, s30  }
0xbc: {  	s0 =	sor.u32 s3, s0;
	s1 =	sshll.u32 s1, $0x11  }
0xbd: {  	s0 =	sor.u32 s1, s0  }
0xbe: {  	s0 =	sadd.s32 $0x8F2B, s0  }
0xbf: {  	[sflag:s0] =	ssyncadd.remote.s32 $0x1  }
0xc0: {  	_ =	sfence.sel $0xFFFF  }
0xc1: {  	[dreg:$0x0] =	wrdreg $0xFFFFFFFF;
	(pc) =	sbr.abs _section_cstart, $3  }
0xc2: {  	[dreg:$0x1] =	wrdreg $0xFFFFFFFF  }
0xc3: {  	_ =	task.clear_ibuf [dreg:s8], $0x2FFFF;
	_ =	strace $0x9FFFFFFF  }
0xc4: {  	(tm) =	ssettm $0x7FFFFFFF  }
0xc5: {  	_ =	shalt  }
tec
execute0_lowered:
.L_overlay_start_1:
0x0: {  	(tag) =	ssettag $0x1  }
0x1: {  	s1 =	rddreg [dreg:$0x0]  }
0x2: {  	s2 =	srdreg.scid;
	s4 =	rddreg [dreg:$0x1]  }
0x3: {  	s0 =	stileid.u32;
	s8 =	rddreg [dreg:$0x2];
	s6 =	sand.u32 $0x1, s2  }
0x4: {  	s3 =	simm.s32 $0x0;
	s5 =	sshll.u32 s0, $0x5;
	s7 =	sshll.u32 s6, $0x4  }
0x5: {  	[smem:$0x7FF] =	sst s3;
	s9 =	sor.u32 s7, s5  }
0x6: {  	s2 =	rddreg [dreg:$0x3];
	_ =	strace $0x80000047;
	s4 =	sadd.s32 s9, s4  }
0x7: {  	s10 =	ssub.s32 $0x2, s6;
	s5 =	sadd.s32 $0x200, s4;
	s4 =	simm.s32 $0x2  }
0x8: {  	[tilespmem:s3], [sflag:$0x2] =	stream.linear.gather [hbm4b:s5+s3], $0x80, $0x38;
	[tilespmem:$0x100] =	vst v63  }
0x9: {  	s11 =	sshrl.u32 s10, $0x1;
	_ =	swait.ge [sflag:s4], $0x80  }
0xa: {  	s6 =	simm.s32 $0x80;
	s10 =	ssub.s32 s10, s11;
	[sflag:s4] =	ssyncset.done $0x0  }
0xb: {  	s7 =	simm.s32 $0x1;
	s31 =	smax.u32 s10, $0x1;
	[sflag:s4] =	ssyncadd.s32 $0xFFFFFF80  }
0xc: {  	[tilespmem:s6], [sflag:$0x1] =	stream.indirect.gather [hbm4b:s1+s6], $0x1, s3, s6, $0xb8;
	[tilespmem:$0x100] =	vst v63  }
0xd: {  	p0 =	sne.s32 s31, $0x1;
	_ =	swait.ge [sflag:s7], $0x80  }
.Ltmp0:
0xe: {  	[sflag:s7] =	ssyncset.done $0x0;
	(pc) =	sbr.rel @!p0 .LBB2_2-.Ltmp0, $4  }
0xf: {  	s8 =	sadd.s32 s8, s9;
	[sflag:s7] =	ssyncadd.s32 $0xFFFFFF80  }
0x10: {  	[hbm4b:s8+s3] =	stream.linear.scatter [tilespmem:s6], [sflag:$0x2], $0x80, $0x38;
	[tilespmem:$0x100] =	vst v63  }
0x11: {  	_ =	swait.ge [sflag:s4], $0x80  }
0x12: {  	s9 =	sadd.s32 $0xFFFFFFFF, s31;
	[sflag:s4] =	ssyncset.done $0x0  }
.LBB2_1:
0x13: {  	p0 =	sne.s32 s9, $0x1;
	s9 =	sadd.s32 $0xFFFFFFFF, s9;
	[sflag:s4] =	ssyncadd.s32 $0xFFFFFF80  }
0x14: {  	[tilespmem:s3], [sflag:$0x2] =	stream.linear.gather [hbm4b:s5+s3], $0x80, $0x38;
	[tilespmem:$0x100] =	vst v63  }
0x15: {  	_ =	swait.ge [sflag:s4], $0x80  }
0x16: {  	[sflag:s4] =	ssyncset.done $0x0  }
0x17: {  	[sflag:s4] =	ssyncadd.s32 $0xFFFFFF80  }
0x18: {  	[tilespmem:s6], [sflag:$0x1] =	stream.indirect.gather [hbm4b:s1+s6], $0x1, s3, s6, $0xb8;
	[tilespmem:$0x100] =	vst v63  }
0x19: {  	_ =	swait.ge [sflag:s7], $0x80  }
.Ltmp1:
0x1a: {  	[sflag:s7] =	ssyncset.done $0x0;
	(pc) =	sbr.rel @p0 .LBB2_1-.Ltmp1, $4  }
0x1b: {  	[sflag:s7] =	ssyncadd.s32 $0xFFFFFF80  }
0x1c: {  	[hbm4b:s8+s3] =	stream.linear.scatter [tilespmem:s6], [sflag:$0x2], $0x80, $0x38;
	[tilespmem:$0x100] =	vst v63  }
0x1d: {  	_ =	swait.ge [sflag:s4], $0x80  }
0x1e: {  	[sflag:s4] =	ssyncset.done $0x0  }
.LBB2_2:
0x1f: {  	[sflag:s4] =	ssyncadd.s32 $0xFFFFFF80  }
0x20: {  	_ =	sfence.sel $0x180000  }
0x21: {  	[bflag:$0x0] =	sbarrier.arrive $0xFFFF  }
0x22: {  	p0 =	sne.s32 s0, $0x0;
	_ =	strace $0x90000047  }
0x23: {  	s0 =	sadd.s32 @!p0 $0x100000, s2;
	[bflag:$0x2] =	sbarrier.arrive $0xFFFF  }
0x24: {  	[sflag:s0] =	ssyncadd.tile.s32 @!p0 $0x1;
	_ =	shalt  }
.Lfunc_end2:
_tile_overlayer_lowered:
.L_overlay_start_2:
0x25: {  	(tag) =	ssettag $0x2  }
0x26: {  	s0 =	rddreg [dreg:$0x0];
	s2 =	stileid.u32  }
0x27: {  	s1 =	rddreg [dreg:$0x1];
	p0 =	sne.s32 s2, $0x0  }
0x28: {  	s3 =	rddreg [dreg:$0x2];
	[bflag:$0x3] =	sbarrier.arrive $0xFFFF;
	s2 =	simm.s32 @!p0 $0x1C02  }
0x29: {  	[timem:s3], [sflag:s2] =	dma.local @!p0 [hbm:s0], s1  }
0x2a: {  	s0 =	simm.s32 @!p0 $0x2  }
0x2b: {  	_ =	swait.ge @!p0 [sflag:s0], s1  }
0x2c: {  	s1 =	ssub.s32 @!p0 $0x0, s1;
	[sflag:s0] =	ssyncset.done @!p0 $0x0  }
0x2d: {  	[sflag:s0] =	ssyncadd.s32 @!p0 s1  }
0x2e: {  	[bflag:$0x3] =	sbarrier.arrive $0xFFFF  }
0x2f: {  	_ =	shalt  }

</sc_bundles>
